<compile_context>
chip_gen: v7x
topology: tpu7x:2x2x1
jax: 0.10.2.dev20260603
libtpu: 0.0.44.dev20260713+nightly
codegen_flags: <defaults>
</compile_context>

<pallas_src>
import functools

import jax
import jax.numpy as jnp
from jax import lax
from jax.experimental import pallas as pl
from jax.experimental.pallas import tpu as pltpu
from jax.experimental.pallas import tpu_sc as plsc

_NUM_CLASSES = 100000
_D = 128
_B = 4096
_LAMBDA = 0.003

_NC = 2
_NS = 16
_L = 16
_NW = _NC * _NS
_BPW = _B // _NW
_COLS = _D // _L
_C = 64
_NCH = _BPW // _C

_mesh = plsc.VectorSubcoreMesh(core_axis_name="c", subcore_axis_name="s")


@functools.partial(
    pl.kernel,
    out_type=jax.ShapeDtypeStruct((_NW // 8, 8 * _L), jnp.float32),
    mesh=_mesh,
    scratch_types=[
        pltpu.VMEM((_BPW,), jnp.int32),
        pltpu.VMEM((_C, _D), jnp.float32),
        pltpu.VMEM((_C, _D), jnp.float32),
        pltpu.VMEM((_BPW, _D), jnp.float32),
        pltpu.VMEM((_L,), jnp.float32),
        pltpu.SemaphoreType.DMA,
        pltpu.SemaphoreType.DMA,
        pltpu.SemaphoreType.DMA,
    ],
)
def _sc_partial_sums(feat_hbm, lab_hbm, cent_hbm, out_hbm,
                     idx_v, rows0, rows1, feat_v, acc_v,
                     sg0, sg1, sf):
    wid = lax.axis_index("c") * _NS + lax.axis_index("s")
    base = wid * _BPW

    rows_bufs = (rows0, rows1)
    g_sems = (sg0, sg1)

    cp_f = pltpu.async_copy(feat_hbm.at[pl.ds(base, _BPW)], feat_v, sf)
    pltpu.sync_copy(lab_hbm.at[pl.ds(base, _BPW)], idx_v)

    copies = [
        pltpu.async_copy(cent_hbm.at[idx_v.at[pl.ds(k * _C, _C)]],
                         rows_bufs[k], g_sems[k])
        for k in range(_NCH)
    ]
    cp_f.wait()
    acc = jnp.zeros((_L,), jnp.float32)
    for k in range(_NCH):
        copies[k].wait()
        rbuf = rows_bufs[k]
        off = k * _C

        def chunk_body(i, acc, rbuf=rbuf, off=off):
            for j in range(_COLS):
                f = feat_v[off + i, pl.ds(j * _L, _L)]
                c = rbuf[i, pl.ds(j * _L, _L)]
                d = f - c
                acc = acc + d * d
            return acc

        acc = plsc.parallel_loop(0, _C, carry=acc, unroll=2)(chunk_body)

    acc_v[...] = acc
    pltpu.sync_copy(acc_v, out_hbm.at[wid // 8, pl.ds((wid % 8) * _L, _L)])


def _tc_finish(p_ref, o_ref):
    o_ref[0, 0] = jnp.sum(p_ref[...]) * (_LAMBDA / _B)


_finish_call = pl.pallas_call(
    _tc_finish,
    out_shape=jax.ShapeDtypeStruct((1, 1), jnp.float32),
    out_specs=pl.BlockSpec(memory_space=pltpu.SMEM),
)


@jax.jit
def kernel(features, labels, centers):
    partials = _sc_partial_sums(features, labels.astype(jnp.int32), centers)
    return _finish_call(partials)[0, 0]

# --- scband reference (transcript-rebuilt; emitter-appended) ---
"""Pipeline reference for scband-center-loss-50208167690762 (READ-ONLY COPY).

The authoritative reference and input builder live on the scoring server;
editing this copy changes nothing except your own understanding.
"""

import jax, jax.numpy as jnp
import numpy as np

NUM_CLASSES = 100000
FEATURE_DIM = 128
BATCH = 4096
LAMBDA_CENTER = 0.003

def setup_inputs(seed: int = 0) -> dict:
    key = jax.random.key(seed)
    k1, k2, k3 = jax.random.split(key, 3)
    features = jax.random.normal(k1, (BATCH, FEATURE_DIM), dtype=jnp.float32)
    labels = jax.random.randint(k2, (BATCH,), 0, NUM_CLASSES, dtype=jnp.int64)
    centers = jax.random.normal(k3, (NUM_CLASSES, FEATURE_DIM), dtype=jnp.float32)
    return {"features": features, "labels": labels, "centers": centers}

def reference(features, labels, centers):
    batch_size = features.shape[0]
    centers_batch = jnp.take(centers, labels, axis=0)
    loss = jnp.sum(jnp.square(features - centers_batch)) / batch_size
    return loss * LAMBDA_CENTER

if __name__ == "__main__":
    import jax
    _d = setup_inputs()
    print(jax.jit(kernel)(*tuple(_d.values())))

</pallas_src>

<mosaic_0001>
#map = affine_map<(d0, d1) -> (0, 0)>
#map1 = affine_map<(d0, d1) -> (0)>
module attributes {stable_mosaic.version = 14 : i64} {
  func.func @_sc_partial_sums(%arg0: i32, %arg1: i32, %arg2: memref<4096x128xf32, #tpu.memory_space<hbm>>, %arg3: memref<4096xi32, #tpu.memory_space<hbm>>, %arg4: memref<100000x128xf32, #tpu.memory_space<hbm>>, %arg5: memref<4x128xf32, #tpu.memory_space<hbm>>, %arg6: memref<128xi32, #tpu.memory_space<vmem>>, %arg7: memref<64x128xf32, #tpu.memory_space<vmem>>, %arg8: memref<64x128xf32, #tpu.memory_space<vmem>>, %arg9: memref<128x128xf32, #tpu.memory_space<vmem>>, %arg10: memref<16xf32, #tpu.memory_space<vmem>>, %arg11: memref<!tpu.dma_semaphore, #tpu.memory_space<semaphore_mem>>, %arg12: memref<!tpu.dma_semaphore, #tpu.memory_space<semaphore_mem>>, %arg13: memref<!tpu.dma_semaphore, #tpu.memory_space<semaphore_mem>>) attributes {dimension_semantics = [#tpu.dimension_semantics<core_parallel>, #tpu.dimension_semantics<subcore_parallel>], iteration_bounds = array<i64: 2, 16>, scalar_prefetch = 0 : i64, scratch_operands = 8 : i64, tpu.core_type = #tpu.core_type<sc_vector_subcore>, window_params = [{transform_indices = #map}, {transform_indices = #map1}, {transform_indices = #map}, {transform_indices = #map}]} {
    %mul3A = arith.constant 16 : i32
    %mul3A_0 = arith.muli %arg0, %mul3A : i32
    %add3A = arith.addi %mul3A_0, %arg1 : i32
    %mul3A_1 = arith.constant 128 : i32
    %mul3A_2 = arith.muli %add3A, %mul3A_1 : i32
    %dma_start3A = arith.constant 0 : i32
    %dma_start3A_3 = tpu.memref_slice %arg2[%mul3A_2, %dma_start3A] : memref<4096x128xf32, #tpu.memory_space<hbm>> -> memref<128x128xf32, #tpu.memory_space<hbm>>
    %dma_start3A_4 = arith.constant 0 : i32
    %dma_start3A_5 = tpu.memref_slice %arg2[%mul3A_2, %dma_start3A_4] : memref<4096x128xf32, #tpu.memory_space<hbm>> -> memref<128x128xf32, #tpu.memory_space<hbm>>
    tpu.enqueue_dma source(%dma_start3A_5 : memref<128x128xf32, #tpu.memory_space<hbm>>) target(%arg9 : memref<128x128xf32, #tpu.memory_space<vmem>>) target_semaphore(%arg13 : memref<!tpu.dma_semaphore, #tpu.memory_space<semaphore_mem>>)
    "tpu.region"() ({
      %run_scoped3A = tpu.sem_alloc : memref<!tpu.dma_semaphore, #tpu.memory_space<semaphore_mem>>
      %dma_start3A_72 = tpu.memref_slice %arg3[%mul3A_2] : memref<4096xi32, #tpu.memory_space<hbm>> -> memref<128xi32, #tpu.memory_space<hbm>>
      %dma_start3A_73 = tpu.memref_slice %arg3[%mul3A_2] : memref<4096xi32, #tpu.memory_space<hbm>> -> memref<128xi32, #tpu.memory_space<hbm>>
      tpu.enqueue_dma source(%dma_start3A_73 : memref<128xi32, #tpu.memory_space<hbm>>) target(%arg6 : memref<128xi32, #tpu.memory_space<vmem>>) target_semaphore(%run_scoped3A : memref<!tpu.dma_semaphore, #tpu.memory_space<semaphore_mem>>)
      %dma_wait3A_74 = tpu.memref_slice %arg3[%mul3A_2] : memref<4096xi32, #tpu.memory_space<hbm>> -> memref<128xi32, #tpu.memory_space<hbm>>
      %dma_wait3A_75 = tpu.memref_slice %arg3[%mul3A_2] : memref<4096xi32, #tpu.memory_space<hbm>> -> memref<128xi32, #tpu.memory_space<hbm>>
      tpu.wait_dma2 semaphore(%run_scoped3A : memref<!tpu.dma_semaphore, #tpu.memory_space<semaphore_mem>>) src(%dma_wait3A_75 : memref<128xi32, #tpu.memory_space<hbm>>) dst(%arg6 : memref<128xi32, #tpu.memory_space<vmem>>)
      tpu.yield
    }) : () -> ()
    %dma_start3A_6 = arith.constant 0 : i32
    %dma_start3A_7 = tpu.memref_slice %arg6[%dma_start3A_6] : memref<128xi32, #tpu.memory_space<vmem>> -> memref<64xi32, #tpu.memory_space<vmem>>
    %dma_start3A_8 = arith.constant 0 : i32
    %dma_start3A_9 = arith.constant 0 : i32
    %dma_start3A_10 = tpu.memref_slice %arg4[%dma_start3A_8, %dma_start3A_9] : memref<100000x128xf32, #tpu.memory_space<hbm>> -> memref<100000x128xf32, #tpu.memory_space<hbm>>
    tpu.enqueue_indirect_dma source(%dma_start3A_10 : memref<100000x128xf32, #tpu.memory_space<hbm>>) target(%arg7 : memref<64x128xf32, #tpu.memory_space<vmem>>) offsets(%dma_start3A_7 : memref<64xi32, #tpu.memory_space<vmem>>) semaphore(%arg11 : memref<!tpu.dma_semaphore, #tpu.memory_space<semaphore_mem>>)
    %dma_start3A_11 = arith.constant 64 : i32
    %dma_start3A_12 = tpu.memref_slice %arg6[%dma_start3A_11] : memref<128xi32, #tpu.memory_space<vmem>> -> memref<64xi32, #tpu.memory_space<vmem>>
    %dma_start3A_13 = arith.constant 0 : i32
    %dma_start3A_14 = arith.constant 0 : i32
    %dma_start3A_15 = tpu.memref_slice %arg4[%dma_start3A_13, %dma_start3A_14] : memref<100000x128xf32, #tpu.memory_space<hbm>> -> memref<100000x128xf32, #tpu.memory_space<hbm>>
    tpu.enqueue_indirect_dma source(%dma_start3A_15 : memref<100000x128xf32, #tpu.memory_space<hbm>>) target(%arg8 : memref<64x128xf32, #tpu.memory_space<vmem>>) offsets(%dma_start3A_12 : memref<64xi32, #tpu.memory_space<vmem>>) semaphore(%arg12 : memref<!tpu.dma_semaphore, #tpu.memory_space<semaphore_mem>>)
    %dma_wait3A = arith.constant 0 : i32
    %dma_wait3A_16 = tpu.memref_slice %arg2[%mul3A_2, %dma_wait3A] : memref<4096x128xf32, #tpu.memory_space<hbm>> -> memref<128x128xf32, #tpu.memory_space<hbm>>
    %dma_wait3A_17 = arith.constant 0 : i32
    %dma_wait3A_18 = tpu.memref_slice %arg2[%mul3A_2, %dma_wait3A_17] : memref<4096x128xf32, #tpu.memory_space<hbm>> -> memref<128x128xf32, #tpu.memory_space<hbm>>
    tpu.wait_dma2 semaphore(%arg13 : memref<!tpu.dma_semaphore, #tpu.memory_space<semaphore_mem>>) src(%dma_wait3A_18 : memref<128x128xf32, #tpu.memory_space<hbm>>) dst(%arg9 : memref<128x128xf32, #tpu.memory_space<vmem>>)
    %broadcast_in_dim3A = arith.constant 0.000000e+00 : f32
    %broadcast_in_dim3A_19 = vector.broadcast %broadcast_in_dim3A : f32 to vector<16xf32>
    %dma_wait3A_20 = arith.constant 0 : i32
    %dma_wait3A_21 = tpu.memref_slice %arg6[%dma_wait3A_20] : memref<128xi32, #tpu.memory_space<vmem>> -> memref<64xi32, #tpu.memory_space<vmem>>
    %dma_wait3A_22 = arith.constant 0 : i32
    %dma_wait3A_23 = arith.constant 0 : i32
    %dma_wait3A_24 = tpu.memref_slice %arg4[%dma_wait3A_22, %dma_wait3A_23] : memref<100000x128xf32, #tpu.memory_space<hbm>> -> memref<100000x128xf32, #tpu.memory_space<hbm>>
    tpu.wait_indirect_dma semaphore(%arg11 : memref<!tpu.dma_semaphore, #tpu.memory_space<semaphore_mem>>) src(%dma_wait3A_24 : memref<100000x128xf32, #tpu.memory_space<hbm>>) dst(%arg7 : memref<64x128xf32, #tpu.memory_space<vmem>>)
    %parallel_loop3A = arith.constant 0 : i32
    %parallel_loop3A_25 = arith.constant 64 : i32
    %parallel_loop3A_26 = arith.constant 1 : i32
    %parallel_loop3A_27 = scf.for %parallel_loop3A_72 = %parallel_loop3A to %parallel_loop3A_25 step %parallel_loop3A_26 iter_args(%parallel_loop3A_73 = %broadcast_in_dim3A_19) -> (vector<16xf32>)  : i32 {
      %parallel_loop3A_74 = arith.constant 0 : i32
      %parallel_loop3A_75 = arith.addi %parallel_loop3A_74, %parallel_loop3A_72 : i32
      %parallel_loop3A_76 = arith.index_cast %parallel_loop3A_75 : i32 to index
      %parallel_loop3A_77 = arith.constant 0 : index
      %parallel_loop3A_78 = tpu.vector_load %arg9[%parallel_loop3A_76, %parallel_loop3A_77] {strides = array<i32>} : memref<128x128xf32, #tpu.memory_space<vmem>>, vector<1x16xf32>,
      %parallel_loop3A_79 = vector.shape_cast %parallel_loop3A_78 : vector<1x16xf32> to vector<16xf32>
      %parallel_loop3A_80 = arith.index_cast %parallel_loop3A_72 : i32 to index
      %parallel_loop3A_81 = arith.constant 0 : index
      %parallel_loop3A_82 = tpu.vector_load %arg7[%parallel_loop3A_80, %parallel_loop3A_81] {strides = array<i32>} : memref<64x128xf32, #tpu.memory_space<vmem>>, vector<1x16xf32>,
      %parallel_loop3A_83 = vector.shape_cast %parallel_loop3A_82 : vector<1x16xf32> to vector<16xf32>
      %parallel_loop3A_84 = arith.subf %parallel_loop3A_79, %parallel_loop3A_83 : vector<16xf32>
      %parallel_loop3A_85 = arith.mulf %parallel_loop3A_84, %parallel_loop3A_84 : vector<16xf32>
      %parallel_loop3A_86 = arith.addf %parallel_loop3A_73, %parallel_loop3A_85 : vector<16xf32>
      %parallel_loop3A_87 = arith.constant 0 : i32
      %parallel_loop3A_88 = arith.addi %parallel_loop3A_87, %parallel_loop3A_72 : i32
      %parallel_loop3A_89 = arith.index_cast %parallel_loop3A_88 : i32 to index
      %parallel_loop3A_90 = arith.constant 16 : index
      %parallel_loop3A_91 = tpu.vector_load %arg9[%parallel_loop3A_89, %parallel_loop3A_90] {strides = array<i32>} : memref<128x128xf32, #tpu.memory_space<vmem>>, vector<1x16xf32>,
      %parallel_loop3A_92 = vector.shape_cast %parallel_loop3A_91 : vector<1x16xf32> to vector<16xf32>
      %parallel_loop3A_93 = arith.index_cast %parallel_loop3A_72 : i32 to index
      %parallel_loop3A_94 = arith.constant 16 : index
      %parallel_loop3A_95 = tpu.vector_load %arg7[%parallel_loop3A_93, %parallel_loop3A_94] {strides = array<i32>} : memref<64x128xf32, #tpu.memory_space<vmem>>, vector<1x16xf32>,
      %parallel_loop3A_96 = vector.shape_cast %parallel_loop3A_95 : vector<1x16xf32> to vector<16xf32>
      %parallel_loop3A_97 = arith.subf %parallel_loop3A_92, %parallel_loop3A_96 : vector<16xf32>
      %parallel_loop3A_98 = arith.mulf %parallel_loop3A_97, %parallel_loop3A_97 : vector<16xf32>
      %parallel_loop3A_99 = arith.addf %parallel_loop3A_86, %parallel_loop3A_98 : vector<16xf32>
      %parallel_loop3A_100 = arith.constant 0 : i32
      %parallel_loop3A_101 = arith.addi %parallel_loop3A_100, %parallel_loop3A_72 : i32
      %parallel_loop3A_102 = arith.index_cast %parallel_loop3A_101 : i32 to index
      %parallel_loop3A_103 = arith.constant 32 : index
      %parallel_loop3A_104 = tpu.vector_load %arg9[%parallel_loop3A_102, %parallel_loop3A_103] {strides = array<i32>} : memref<128x128xf32, #tpu.memory_space<vmem>>, vector<1x16xf32>,
      %parallel_loop3A_105 = vector.shape_cast %parallel_loop3A_104 : vector<1x16xf32> to vector<16xf32>
      %parallel_loop3A_106 = arith.index_cast %parallel_loop3A_72 : i32 to index
      %parallel_loop3A_107 = arith.constant 32 : index
      %parallel_loop3A_108 = tpu.vector_load %arg7[%parallel_loop3A_106, %parallel_loop3A_107] {strides = array<i32>} : memref<64x128xf32, #tpu.memory_space<vmem>>, vector<1x16xf32>,
      %parallel_loop3A_109 = vector.shape_cast %parallel_loop3A_108 : vector<1x16xf32> to vector<16xf32>
      %parallel_loop3A_110 = arith.subf %parallel_loop3A_105, %parallel_loop3A_109 : vector<16xf32>
      %parallel_loop3A_111 = arith.mulf %parallel_loop3A_110, %parallel_loop3A_110 : vector<16xf32>
      %parallel_loop3A_112 = arith.addf %parallel_loop3A_99, %parallel_loop3A_111 : vector<16xf32>
      %parallel_loop3A_113 = arith.constant 0 : i32
      %parallel_loop3A_114 = arith.addi %parallel_loop3A_113, %parallel_loop3A_72 : i32
      %parallel_loop3A_115 = arith.index_cast %parallel_loop3A_114 : i32 to index
      %parallel_loop3A_116 = arith.constant 48 : index
      %parallel_loop3A_117 = tpu.vector_load %arg9[%parallel_loop3A_115, %parallel_loop3A_116] {strides = array<i32>} : memref<128x128xf32, #tpu.memory_space<vmem>>, vector<1x16xf32>,
      %parallel_loop3A_118 = vector.shape_cast %parallel_loop3A_117 : vector<1x16xf32> to vector<16xf32>
      %parallel_loop3A_119 = arith.index_cast %parallel_loop3A_72 : i32 to index
      %parallel_loop3A_120 = arith.constant 48 : index
      %parallel_loop3A_121 = tpu.vector_load %arg7[%parallel_loop3A_119, %parallel_loop3A_120] {strides = array<i32>} : memref<64x128xf32, #tpu.memory_space<vmem>>, vector<1x16xf32>,
      %parallel_loop3A_122 = vector.shape_cast %parallel_loop3A_121 : vector<1x16xf32> to vector<16xf32>
      %parallel_loop3A_123 = arith.subf %parallel_loop3A_118, %parallel_loop3A_122 : vector<16xf32>
      %parallel_loop3A_124 = arith.mulf %parallel_loop3A_123, %parallel_loop3A_123 : vector<16xf32>
      %parallel_loop3A_125 = arith.addf %parallel_loop3A_112, %parallel_loop3A_124 : vector<16xf32>
      %parallel_loop3A_126 = arith.constant 0 : i32
      %parallel_loop3A_127 = arith.addi %parallel_loop3A_126, %parallel_loop3A_72 : i32
      %parallel_loop3A_128 = arith.index_cast %parallel_loop3A_127 : i32 to index
      %parallel_loop3A_129 = arith.constant 64 : index
      %parallel_loop3A_130 = tpu.vector_load %arg9[%parallel_loop3A_128, %parallel_loop3A_129] {strides = array<i32>} : memref<128x128xf32, #tpu.memory_space<vmem>>, vector<1x16xf32>,
      %parallel_loop3A_131 = vector.shape_cast %parallel_loop3A_130 : vector<1x16xf32> to vector<16xf32>
      %parallel_loop3A_132 = arith.index_cast %parallel_loop3A_72 : i32 to index
      %parallel_loop3A_133 = arith.constant 64 : index
      %parallel_loop3A_134 = tpu.vector_load %arg7[%parallel_loop3A_132, %parallel_loop3A_133] {strides = array<i32>} : memref<64x128xf32, #tpu.memory_space<vmem>>, vector<1x16xf32>,
      %parallel_loop3A_135 = vector.shape_cast %parallel_loop3A_134 : vector<1x16xf32> to vector<16xf32>
      %parallel_loop3A_136 = arith.subf %parallel_loop3A_131, %parallel_loop3A_135 : vector<16xf32>
      %parallel_loop3A_137 = arith.mulf %parallel_loop3A_136, %parallel_loop3A_136 : vector<16xf32>
      %parallel_loop3A_138 = arith.addf %parallel_loop3A_125, %parallel_loop3A_137 : vector<16xf32>
      %parallel_loop3A_139 = arith.constant 0 : i32
      %parallel_loop3A_140 = arith.addi %parallel_loop3A_139, %parallel_loop3A_72 : i32
      %parallel_loop3A_141 = arith.index_cast %parallel_loop3A_140 : i32 to index
      %parallel_loop3A_142 = arith.constant 80 : index
      %parallel_loop3A_143 = tpu.vector_load %arg9[%parallel_loop3A_141, %parallel_loop3A_142] {strides = array<i32>} : memref<128x128xf32, #tpu.memory_space<vmem>>, vector<1x16xf32>,
      %parallel_loop3A_144 = vector.shape_cast %parallel_loop3A_143 : vector<1x16xf32> to vector<16xf32>
      %parallel_loop3A_145 = arith.index_cast %parallel_loop3A_72 : i32 to index
      %parallel_loop3A_146 = arith.constant 80 : index
      %parallel_loop3A_147 = tpu.vector_load %arg7[%parallel_loop3A_145, %parallel_loop3A_146] {strides = array<i32>} : memref<64x128xf32, #tpu.memory_space<vmem>>, vector<1x16xf32>,
      %parallel_loop3A_148 = vector.shape_cast %parallel_loop3A_147 : vector<1x16xf32> to vector<16xf32>
      %parallel_loop3A_149 = arith.subf %parallel_loop3A_144, %parallel_loop3A_148 : vector<16xf32>
      %parallel_loop3A_150 = arith.mulf %parallel_loop3A_149, %parallel_loop3A_149 : vector<16xf32>
      %parallel_loop3A_151 = arith.addf %parallel_loop3A_138, %parallel_loop3A_150 : vector<16xf32>
      %parallel_loop3A_152 = arith.constant 0 : i32
      %parallel_loop3A_153 = arith.addi %parallel_loop3A_152, %parallel_loop3A_72 : i32
      %parallel_loop3A_154 = arith.index_cast %parallel_loop3A_153 : i32 to index
      %parallel_loop3A_155 = arith.constant 96 : index
      %parallel_loop3A_156 = tpu.vector_load %arg9[%parallel_loop3A_154, %parallel_loop3A_155] {strides = array<i32>} : memref<128x128xf32, #tpu.memory_space<vmem>>, vector<1x16xf32>,
      %parallel_loop3A_157 = vector.shape_cast %parallel_loop3A_156 : vector<1x16xf32> to vector<16xf32>
      %parallel_loop3A_158 = arith.index_cast %parallel_loop3A_72 : i32 to index
      %parallel_loop3A_159 = arith.constant 96 : index
      %parallel_loop3A_160 = tpu.vector_load %arg7[%parallel_loop3A_158, %parallel_loop3A_159] {strides = array<i32>} : memref<64x128xf32, #tpu.memory_space<vmem>>, vector<1x16xf32>,
      %parallel_loop3A_161 = vector.shape_cast %parallel_loop3A_160 : vector<1x16xf32> to vector<16xf32>
      %parallel_loop3A_162 = arith.subf %parallel_loop3A_157, %parallel_loop3A_161 : vector<16xf32>
      %parallel_loop3A_163 = arith.mulf %parallel_loop3A_162, %parallel_loop3A_162 : vector<16xf32>
      %parallel_loop3A_164 = arith.addf %parallel_loop3A_151, %parallel_loop3A_163 : vector<16xf32>
      %parallel_loop3A_165 = arith.constant 0 : i32
      %parallel_loop3A_166 = arith.addi %parallel_loop3A_165, %parallel_loop3A_72 : i32
      %parallel_loop3A_167 = arith.index_cast %parallel_loop3A_166 : i32 to index
      %parallel_loop3A_168 = arith.constant 112 : index
      %parallel_loop3A_169 = tpu.vector_load %arg9[%parallel_loop3A_167, %parallel_loop3A_168] {strides = array<i32>} : memref<128x128xf32, #tpu.memory_space<vmem>>, vector<1x16xf32>,
      %parallel_loop3A_170 = vector.shape_cast %parallel_loop3A_169 : vector<1x16xf32> to vector<16xf32>
      %parallel_loop3A_171 = arith.index_cast %parallel_loop3A_72 : i32 to index
      %parallel_loop3A_172 = arith.constant 112 : index
      %parallel_loop3A_173 = tpu.vector_load %arg7[%parallel_loop3A_171, %parallel_loop3A_172] {strides = array<i32>} : memref<64x128xf32, #tpu.memory_space<vmem>>, vector<1x16xf32>,
      %parallel_loop3A_174 = vector.shape_cast %parallel_loop3A_173 : vector<1x16xf32> to vector<16xf32>
      %parallel_loop3A_175 = arith.subf %parallel_loop3A_170, %parallel_loop3A_174 : vector<16xf32>
      %parallel_loop3A_176 = arith.mulf %parallel_loop3A_175, %parallel_loop3A_175 : vector<16xf32>
      %parallel_loop3A_177 = arith.addf %parallel_loop3A_164, %parallel_loop3A_176 : vector<16xf32>
      scf.yield %parallel_loop3A_177 : vector<16xf32>
    } {sc.loop_unroll_factor = 2 : i64, sc.parallel_access}
    %dma_wait3A_28 = arith.constant 64 : i32
    %dma_wait3A_29 = tpu.memref_slice %arg6[%dma_wait3A_28] : memref<128xi32, #tpu.memory_space<vmem>> -> memref<64xi32, #tpu.memory_space<vmem>>
    %dma_wait3A_30 = arith.constant 0 : i32
    %dma_wait3A_31 = arith.constant 0 : i32
    %dma_wait3A_32 = tpu.memref_slice %arg4[%dma_wait3A_30, %dma_wait3A_31] : memref<100000x128xf32, #tpu.memory_space<hbm>> -> memref<100000x128xf32, #tpu.memory_space<hbm>>
    tpu.wait_indirect_dma semaphore(%arg12 : memref<!tpu.dma_semaphore, #tpu.memory_space<semaphore_mem>>) src(%dma_wait3A_32 : memref<100000x128xf32, #tpu.memory_space<hbm>>) dst(%arg8 : memref<64x128xf32, #tpu.memory_space<vmem>>)
    %parallel_loop3A_33 = arith.constant 0 : i32
    %parallel_loop3A_34 = arith.constant 64 : i32
    %parallel_loop3A_35 = arith.constant 1 : i32
    %parallel_loop3A_36 = scf.for %parallel_loop3A_72 = %parallel_loop3A_33 to %parallel_loop3A_34 step %parallel_loop3A_35 iter_args(%parallel_loop3A_73 = %parallel_loop3A_27) -> (vector<16xf32>)  : i32 {
      %parallel_loop3A_74 = arith.constant 64 : i32
      %parallel_loop3A_75 = arith.addi %parallel_loop3A_74, %parallel_loop3A_72 : i32
      %parallel_loop3A_76 = arith.index_cast %parallel_loop3A_75 : i32 to index
      %parallel_loop3A_77 = arith.constant 0 : index
      %parallel_loop3A_78 = tpu.vector_load %arg9[%parallel_loop3A_76, %parallel_loop3A_77] {strides = array<i32>} : memref<128x128xf32, #tpu.memory_space<vmem>>, vector<1x16xf32>,
      %parallel_loop3A_79 = vector.shape_cast %parallel_loop3A_78 : vector<1x16xf32> to vector<16xf32>
      %parallel_loop3A_80 = arith.index_cast %parallel_loop3A_72 : i32 to index
      %parallel_loop3A_81 = arith.constant 0 : index
      %parallel_loop3A_82 = tpu.vector_load %arg8[%parallel_loop3A_80, %parallel_loop3A_81] {strides = array<i32>} : memref<64x128xf32, #tpu.memory_space<vmem>>, vector<1x16xf32>,
      %parallel_loop3A_83 = vector.shape_cast %parallel_loop3A_82 : vector<1x16xf32> to vector<16xf32>
      %parallel_loop3A_84 = arith.subf %parallel_loop3A_79, %parallel_loop3A_83 : vector<16xf32>
      %parallel_loop3A_85 = arith.mulf %parallel_loop3A_84, %parallel_loop3A_84 : vector<16xf32>
      %parallel_loop3A_86 = arith.addf %parallel_loop3A_73, %parallel_loop3A_85 : vector<16xf32>
      %parallel_loop3A_87 = arith.constant 64 : i32
      %parallel_loop3A_88 = arith.addi %parallel_loop3A_87, %parallel_loop3A_72 : i32
      %parallel_loop3A_89 = arith.index_cast %parallel_loop3A_88 : i32 to index
      %parallel_loop3A_90 = arith.constant 16 : index
      %parallel_loop3A_91 = tpu.vector_load %arg9[%parallel_loop3A_89, %parallel_loop3A_90] {strides = array<i32>} : memref<128x128xf32, #tpu.memory_space<vmem>>, vector<1x16xf32>,
      %parallel_loop3A_92 = vector.shape_cast %parallel_loop3A_91 : vector<1x16xf32> to vector<16xf32>
      %parallel_loop3A_93 = arith.index_cast %parallel_loop3A_72 : i32 to index
      %parallel_loop3A_94 = arith.constant 16 : index
      %parallel_loop3A_95 = tpu.vector_load %arg8[%parallel_loop3A_93, %parallel_loop3A_94] {strides = array<i32>} : memref<64x128xf32, #tpu.memory_space<vmem>>, vector<1x16xf32>,
      %parallel_loop3A_96 = vector.shape_cast %parallel_loop3A_95 : vector<1x16xf32> to vector<16xf32>
      %parallel_loop3A_97 = arith.subf %parallel_loop3A_92, %parallel_loop3A_96 : vector<16xf32>
      %parallel_loop3A_98 = arith.mulf %parallel_loop3A_97, %parallel_loop3A_97 : vector<16xf32>
      %parallel_loop3A_99 = arith.addf %parallel_loop3A_86, %parallel_loop3A_98 : vector<16xf32>
      %parallel_loop3A_100 = arith.constant 64 : i32
      %parallel_loop3A_101 = arith.addi %parallel_loop3A_100, %parallel_loop3A_72 : i32
      %parallel_loop3A_102 = arith.index_cast %parallel_loop3A_101 : i32 to index
      %parallel_loop3A_103 = arith.constant 32 : index
      %parallel_loop3A_104 = tpu.vector_load %arg9[%parallel_loop3A_102, %parallel_loop3A_103] {strides = array<i32>} : memref<128x128xf32, #tpu.memory_space<vmem>>, vector<1x16xf32>,
      %parallel_loop3A_105 = vector.shape_cast %parallel_loop3A_104 : vector<1x16xf32> to vector<16xf32>
      %parallel_loop3A_106 = arith.index_cast %parallel_loop3A_72 : i32 to index
      %parallel_loop3A_107 = arith.constant 32 : index
      %parallel_loop3A_108 = tpu.vector_load %arg8[%parallel_loop3A_106, %parallel_loop3A_107] {strides = array<i32>} : memref<64x128xf32, #tpu.memory_space<vmem>>, vector<1x16xf32>,
      %parallel_loop3A_109 = vector.shape_cast %parallel_loop3A_108 : vector<1x16xf32> to vector<16xf32>
      %parallel_loop3A_110 = arith.subf %parallel_loop3A_105, %parallel_loop3A_109 : vector<16xf32>
      %parallel_loop3A_111 = arith.mulf %parallel_loop3A_110, %parallel_loop3A_110 : vector<16xf32>
      %parallel_loop3A_112 = arith.addf %parallel_loop3A_99, %parallel_loop3A_111 : vector<16xf32>
      %parallel_loop3A_113 = arith.constant 64 : i32
      %parallel_loop3A_114 = arith.addi %parallel_loop3A_113, %parallel_loop3A_72 : i32
      %parallel_loop3A_115 = arith.index_cast %parallel_loop3A_114 : i32 to index
      %parallel_loop3A_116 = arith.constant 48 : index
      %parallel_loop3A_117 = tpu.vector_load %arg9[%parallel_loop3A_115, %parallel_loop3A_116] {strides = array<i32>} : memref<128x128xf32, #tpu.memory_space<vmem>>, vector<1x16xf32>,
      %parallel_loop3A_118 = vector.shape_cast %parallel_loop3A_117 : vector<1x16xf32> to vector<16xf32>
      %parallel_loop3A_119 = arith.index_cast %parallel_loop3A_72 : i32 to index
      %parallel_loop3A_120 = arith.constant 48 : index
      %parallel_loop3A_121 = tpu.vector_load %arg8[%parallel_loop3A_119, %parallel_loop3A_120] {strides = array<i32>} : memref<64x128xf32, #tpu.memory_space<vmem>>, vector<1x16xf32>,
      %parallel_loop3A_122 = vector.shape_cast %parallel_loop3A_121 : vector<1x16xf32> to vector<16xf32>
      %parallel_loop3A_123 = arith.subf %parallel_loop3A_118, %parallel_loop3A_122 : vector<16xf32>
      %parallel_loop3A_124 = arith.mulf %parallel_loop3A_123, %parallel_loop3A_123 : vector<16xf32>
      %parallel_loop3A_125 = arith.addf %parallel_loop3A_112, %parallel_loop3A_124 : vector<16xf32>
      %parallel_loop3A_126 = arith.constant 64 : i32
      %parallel_loop3A_127 = arith.addi %parallel_loop3A_126, %parallel_loop3A_72 : i32
      %parallel_loop3A_128 = arith.index_cast %parallel_loop3A_127 : i32 to index
      %parallel_loop3A_129 = arith.constant 64 : index
      %parallel_loop3A_130 = tpu.vector_load %arg9[%parallel_loop3A_128, %parallel_loop3A_129] {strides = array<i32>} : memref<128x128xf32, #tpu.memory_space<vmem>>, vector<1x16xf32>,
      %parallel_loop3A_131 = vector.shape_cast %parallel_loop3A_130 : vector<1x16xf32> to vector<16xf32>
      %parallel_loop3A_132 = arith.index_cast %parallel_loop3A_72 : i32 to index
      %parallel_loop3A_133 = arith.constant 64 : index
      %parallel_loop3A_134 = tpu.vector_load %arg8[%parallel_loop3A_132, %parallel_loop3A_133] {strides = array<i32>} : memref<64x128xf32, #tpu.memory_space<vmem>>, vector<1x16xf32>,
      %parallel_loop3A_135 = vector.shape_cast %parallel_loop3A_134 : vector<1x16xf32> to vector<16xf32>
      %parallel_loop3A_136 = arith.subf %parallel_loop3A_131, %parallel_loop3A_135 : vector<16xf32>
      %parallel_loop3A_137 = arith.mulf %parallel_loop3A_136, %parallel_loop3A_136 : vector<16xf32>
      %parallel_loop3A_138 = arith.addf %parallel_loop3A_125, %parallel_loop3A_137 : vector<16xf32>
      %parallel_loop3A_139 = arith.constant 64 : i32
      %parallel_loop3A_140 = arith.addi %parallel_loop3A_139, %parallel_loop3A_72 : i32
      %parallel_loop3A_141 = arith.index_cast %parallel_loop3A_140 : i32 to index
      %parallel_loop3A_142 = arith.constant 80 : index
      %parallel_loop3A_143 = tpu.vector_load %arg9[%parallel_loop3A_141, %parallel_loop3A_142] {strides = array<i32>} : memref<128x128xf32, #tpu.memory_space<vmem>>, vector<1x16xf32>,
      %parallel_loop3A_144 = vector.shape_cast %parallel_loop3A_143 : vector<1x16xf32> to vector<16xf32>
      %parallel_loop3A_145 = arith.index_cast %parallel_loop3A_72 : i32 to index
      %parallel_loop3A_146 = arith.constant 80 : index
      %parallel_loop3A_147 = tpu.vector_load %arg8[%parallel_loop3A_145, %parallel_loop3A_146] {strides = array<i32>} : memref<64x128xf32, #tpu.memory_space<vmem>>, vector<1x16xf32>,
      %parallel_loop3A_148 = vector.shape_cast %parallel_loop3A_147 : vector<1x16xf32> to vector<16xf32>
      %parallel_loop3A_149 = arith.subf %parallel_loop3A_144, %parallel_loop3A_148 : vector<16xf32>
      %parallel_loop3A_150 = arith.mulf %parallel_loop3A_149, %parallel_loop3A_149 : vector<16xf32>
      %parallel_loop3A_151 = arith.addf %parallel_loop3A_138, %parallel_loop3A_150 : vector<16xf32>
      %parallel_loop3A_152 = arith.constant 64 : i32
      %parallel_loop3A_153 = arith.addi %parallel_loop3A_152, %parallel_loop3A_72 : i32
      %parallel_loop3A_154 = arith.index_cast %parallel_loop3A_153 : i32 to index
      %parallel_loop3A_155 = arith.constant 96 : index
      %parallel_loop3A_156 = tpu.vector_load %arg9[%parallel_loop3A_154, %parallel_loop3A_155] {strides = array<i32>} : memref<128x128xf32, #tpu.memory_space<vmem>>, vector<1x16xf32>,
      %parallel_loop3A_157 = vector.shape_cast %parallel_loop3A_156 : vector<1x16xf32> to vector<16xf32>
      %parallel_loop3A_158 = arith.index_cast %parallel_loop3A_72 : i32 to index
      %parallel_loop3A_159 = arith.constant 96 : index
      %parallel_loop3A_160 = tpu.vector_load %arg8[%parallel_loop3A_158, %parallel_loop3A_159] {strides = array<i32>} : memref<64x128xf32, #tpu.memory_space<vmem>>, vector<1x16xf32>,
      %parallel_loop3A_161 = vector.shape_cast %parallel_loop3A_160 : vector<1x16xf32> to vector<16xf32>
      %parallel_loop3A_162 = arith.subf %parallel_loop3A_157, %parallel_loop3A_161 : vector<16xf32>
      %parallel_loop3A_163 = arith.mulf %parallel_loop3A_162, %parallel_loop3A_162 : vector<16xf32>
      %parallel_loop3A_164 = arith.addf %parallel_loop3A_151, %parallel_loop3A_163 : vector<16xf32>
      %parallel_loop3A_165 = arith.constant 64 : i32
      %parallel_loop3A_166 = arith.addi %parallel_loop3A_165, %parallel_loop3A_72 : i32
      %parallel_loop3A_167 = arith.index_cast %parallel_loop3A_166 : i32 to index
      %parallel_loop3A_168 = arith.constant 112 : index
      %parallel_loop3A_169 = tpu.vector_load %arg9[%parallel_loop3A_167, %parallel_loop3A_168] {strides = array<i32>} : memref<128x128xf32, #tpu.memory_space<vmem>>, vector<1x16xf32>,
      %parallel_loop3A_170 = vector.shape_cast %parallel_loop3A_169 : vector<1x16xf32> to vector<16xf32>
      %parallel_loop3A_171 = arith.index_cast %parallel_loop3A_72 : i32 to index
      %parallel_loop3A_172 = arith.constant 112 : index
      %parallel_loop3A_173 = tpu.vector_load %arg8[%parallel_loop3A_171, %parallel_loop3A_172] {strides = array<i32>} : memref<64x128xf32, #tpu.memory_space<vmem>>, vector<1x16xf32>,
      %parallel_loop3A_174 = vector.shape_cast %parallel_loop3A_173 : vector<1x16xf32> to vector<16xf32>
      %parallel_loop3A_175 = arith.subf %parallel_loop3A_170, %parallel_loop3A_174 : vector<16xf32>
      %parallel_loop3A_176 = arith.mulf %parallel_loop3A_175, %parallel_loop3A_175 : vector<16xf32>
      %parallel_loop3A_177 = arith.addf %parallel_loop3A_164, %parallel_loop3A_176 : vector<16xf32>
      scf.yield %parallel_loop3A_177 : vector<16xf32>
    } {sc.loop_unroll_factor = 2 : i64, sc.parallel_access}
    %swap3A = arith.constant 0 : index
    %swap3A_37 = tpu.vector_load %arg10[%swap3A] {strides = array<i32>} : memref<16xf32, #tpu.memory_space<vmem>>, vector<16xf32>,
    %swap3A_38 = vector.shape_cast %swap3A_37 : vector<16xf32> to vector<16xf32>
    %swap3A_39 = vector.shape_cast %parallel_loop3A_36 : vector<16xf32> to vector<16xf32>
    tpu.vector_store %arg10[%swap3A], %swap3A_39 {strides = array<i32>} : memref<16xf32, #tpu.memory_space<vmem>>, vector<16xf32>,
    %jit3A = arith.constant 8 : i32
    %div3A = arith.divsi %add3A, %jit3A : i32
    %sign3A = arith.constant 0 : i32
    %sign3A_40 = arith.cmpi sgt, %add3A, %sign3A : i32
    %sign3A_41 = arith.extui %sign3A_40 : i1 to i32
    %sign3A_42 = arith.constant 0 : i32
    %sign3A_43 = arith.cmpi slt, %add3A, %sign3A_42 : i32
    %sign3A_44 = arith.extui %sign3A_43 : i1 to i32
    %sign3A_45 = arith.subi %sign3A_41, %sign3A_44 : i32
    %sign3A_46 = arith.constant 0 : i32
    %sign3A_47 = arith.cmpi sgt, %jit3A, %sign3A_46 : i32
    %sign3A_48 = arith.extui %sign3A_47 : i1 to i32
    %sign3A_49 = arith.constant 0 : i32
    %sign3A_50 = arith.cmpi slt, %jit3A, %sign3A_49 : i32
    %sign3A_51 = arith.extui %sign3A_50 : i1 to i32
    %sign3A_52 = arith.subi %sign3A_48, %sign3A_51 : i32
    %ne3A = arith.cmpi ne, %sign3A_45, %sign3A_52 : i32
    %rem3A = arith.remsi %add3A, %jit3A : i32
    %ne3A_53 = arith.constant 0 : i32
    %ne3A_54 = arith.cmpi ne, %rem3A, %ne3A_53 : i32
    %and3A = arith.andi %ne3A, %ne3A_54 : i1
    %sub3A = arith.constant 1 : i32
    %sub3A_55 = arith.subi %div3A, %sub3A : i32
    %select_n3A = arith.select %and3A, %sub3A_55, %div3A : i32
    %jit3A_56 = arith.constant 8 : i32
    %eq3A = arith.constant 0 : i32
    %eq3A_57 = arith.cmpi eq, %jit3A_56, %eq3A : i32
    %jit3A_58 = arith.constant 1 : i32
    %select_n3A_59 = arith.select %eq3A_57, %jit3A_58, %jit3A_56 : i32
    %rem3A_60 = arith.remsi %add3A, %select_n3A_59 : i32
    %ne3A_61 = arith.constant 0 : i32
    %ne3A_62 = arith.cmpi ne, %rem3A_60, %ne3A_61 : i32
    %lt3A = arith.constant 0 : i32
    %lt3A_63 = arith.cmpi slt, %rem3A_60, %lt3A : i32
    %lt3A_64 = arith.constant 0 : i32
    %lt3A_65 = arith.cmpi slt, %select_n3A_59, %lt3A_64 : i32
    %ne3A_66 = arith.xori %lt3A_63, %lt3A_65 : i1
    %and3A_67 = arith.andi %ne3A_66, %ne3A_62 : i1
    %add3A_68 = arith.addi %rem3A_60, %select_n3A_59 : i32
    %select_n3A_69 = arith.select %and3A_67, %add3A_68, %rem3A_60 : i32
    %mul3A_70 = arith.constant 16 : i32
    %mul3A_71 = arith.muli %select_n3A_69, %mul3A_70 : i32
    "tpu.region"() ({
      %run_scoped3A = tpu.sem_alloc : memref<!tpu.dma_semaphore, #tpu.memory_space<semaphore_mem>>
      %dma_start3A_72 = tpu.memref_slice %arg5[%select_n3A, %mul3A_71] : memref<4x128xf32, #tpu.memory_space<hbm>> -> memref<1x16xf32, #tpu.memory_space<hbm>>
      %dma_start3A_73 = tpu.memref_squeeze %dma_start3A_72 : memref<1x16xf32, #tpu.memory_space<hbm>> -> memref<16xf32, #tpu.memory_space<hbm>>
      %dma_start3A_74 = tpu.memref_slice %arg5[%select_n3A, %mul3A_71] : memref<4x128xf32, #tpu.memory_space<hbm>> -> memref<1x16xf32, #tpu.memory_space<hbm>>
      %dma_start3A_75 = tpu.memref_squeeze %dma_start3A_74 : memref<1x16xf32, #tpu.memory_space<hbm>> -> memref<16xf32, #tpu.memory_space<hbm>>
      tpu.enqueue_dma source(%arg10 : memref<16xf32, #tpu.memory_space<vmem>>) target(%dma_start3A_75 : memref<16xf32, #tpu.memory_space<hbm>>) target_semaphore(%run_scoped3A : memref<!tpu.dma_semaphore, #tpu.memory_space<semaphore_mem>>)
      %dma_wait3A_76 = tpu.memref_slice %arg5[%select_n3A, %mul3A_71] : memref<4x128xf32, #tpu.memory_space<hbm>> -> memref<1x16xf32, #tpu.memory_space<hbm>>
      %dma_wait3A_77 = tpu.memref_squeeze %dma_wait3A_76 : memref<1x16xf32, #tpu.memory_space<hbm>> -> memref<16xf32, #tpu.memory_space<hbm>>
      %dma_wait3A_78 = tpu.memref_slice %arg5[%select_n3A, %mul3A_71] : memref<4x128xf32, #tpu.memory_space<hbm>> -> memref<1x16xf32, #tpu.memory_space<hbm>>
      %dma_wait3A_79 = tpu.memref_squeeze %dma_wait3A_78 : memref<1x16xf32, #tpu.memory_space<hbm>> -> memref<16xf32, #tpu.memory_space<hbm>>
      tpu.wait_dma2 semaphore(%run_scoped3A : memref<!tpu.dma_semaphore, #tpu.memory_space<semaphore_mem>>) src(%arg10 : memref<16xf32, #tpu.memory_space<vmem>>) dst(%dma_wait3A_79 : memref<16xf32, #tpu.memory_space<hbm>>)
      tpu.yield
    }) : () -> ()
    return
  }
}

module attributes {stable_mosaic.version = 14 : i64} {
  func.func @_tc_finish(%arg0: memref<4x128xf32, #tpu.memory_space<vmem>>, %arg1: memref<1x1xf32, #tpu.memory_space<smem>>) attributes {dimension_semantics = [], scalar_prefetch = 0 : i64, scratch_operands = 0 : i64, tpu.core_type = #tpu.core_type<tc>} {
    %get3A = arith.constant 0 : index
    %get3A_0 = arith.constant 0 : index
    %get3A_1 = vector.load %arg0[%get3A, %get3A_0] : memref<4x128xf32, #tpu.memory_space<vmem>>, vector<4x128xf32>
    %reduce_sum3A = vector.shape_cast %get3A_1 : vector<4x128xf32> to vector<1x4x128xf32>
    %reduce_sum3A_2 = arith.constant dense<0.000000e+00> : vector<1xf32>
    %reduce_sum3A_3 = vector.multi_reduction <add>, %reduce_sum3A, %reduce_sum3A_2 [1, 2] : vector<1x4x128xf32> to vector<1xf32>
    %reduce_sum3A_4 = vector.shape_cast %reduce_sum3A_3 : vector<1xf32> to vector<1x1x1xf32>
    %reduce_sum3A_5 = vector.extract %reduce_sum3A_4[0, 0, 0] : f32 from vector<1x1x1xf32>
    %mul3A = arith.constant 7.32421881E-7 : f32
    %mul3A_6 = arith.mulf %reduce_sum3A_5, %mul3A : f32
    %swap3A = arith.constant 0 : index
    %swap3A_7 = arith.constant 0 : index
    %swap3A_8 = memref.load %arg1[%swap3A, %swap3A_7] : memref<1x1xf32, #tpu.memory_space<smem>>
    memref.store %mul3A_6, %arg1[%swap3A, %swap3A_7] : memref<1x1xf32, #tpu.memory_space<smem>>
    return
  }
}

</mosaic_0001>

<sc_bundles>
// kernel: kernel.4.cloned.1.call-start
scs
__scs_entry_jumppad:
0x0: {  	(pc) =	sbr.rel $0x88, $3  }
0x1: {  	(tag) =	ssettag $0x0;
	lr =	simm.s32 $0x1  }
0x2: {  	[smem:$0x3F9E] =	sst lr;
	_ =	strace $0xD0000000  }
0x3: {  	_ = 	snop  }
0x4: {  	_ = 	snop  }
0x5: {  	_ = 	snop  }
0x6: {  	_ = 	snop  }
0x7: {  	_ = 	snop  }
__scs_overlays_trampoline_lowered:
0x8: {  	[smem:$0x3FAD] =	sst s0  }
0x9: {  	[smem:$0x3FAE] =	sst s1  }
0xa: {  	[smem:$0x3FAF] =	sst s2  }
0xb: {  	[smem:$0x3FB0] =	sst s3  }
0xc: {  	[smem:$0x3FB1] =	sst s4  }
0xd: {  	[smem:$0x3FB2] =	sst s5  }
0xe: {  	[smem:$0x3FB3] =	sst s6  }
0xf: {  	[smem:$0x3FB4] =	sst s7  }
0x10: {  	[smem:$0x3FB5] =	sst s8  }
0x11: {  	[smem:$0x3FB6] =	sst s9;
	s0 =	simm.s32 @!p0 $0x0  }
0x12: {  	s1 =	sld [smem:$0x3F9C];
	s0 =	simm.s32 @p0 $0x1  }
0x13: {  	[smem:$0x3FB7] =	sst s0;
	s0 =	simm.s32 @!p1 $0x0  }
0x14: {  	s2 =	sld [smem:$0x3F9B];
	s0 =	simm.s32 @p1 $0x1  }
0x15: {  	[smem:$0x3FB8] =	sst s0;
	s0 =	simm.s32 @!p2 $0x0  }
0x16: {  	s3 =	sld [smem:$0x3FDB];
	s0 =	simm.s32 @p2 $0x1  }
0x17: {  	s4 =	simm.s32 $0x1BF5;
	[smem:$0x3FBA] =	sst s0  }
0x18: {  	s0 =	sld [smem:$0x3F9D];
	_ =	swait.ge [sflag:s4], $0x0  }
0x19: {  	s7 =	sld [smem:$0x3F9E]  }
0x1a: {  	s8 =	sadd.s32 $0xFFFFE003, lr  }
0x1b: {  	s9 =	sadd.s32 $0xFFFFFEF7, lr;
	s5 =	simm.s32 $0xFFFFFFFF;
	p2 =	slt.u32 s8, $0xFFFFF086  }
0x1c: {  	p1 =	slt.u32 s9, $0xF7A;
	s5 =	simm.s32 @!p2 $0x0  }
0x1d: {  	s5 =	simm.s32 @p1 $0x1;
	p0 =	seq.s32 s7, s2  }
0x1e: {  	s7 =	smul.u32 @!p0 $0xF7A, s2;
	p2 =	seq.s32 @!p0 s5, $0x0  }
0x1f: {  	s9 =	smul.u32 $0xF7A, s1;
	s8 =	simm.s32 @!p0 $0x1BF5;
	p2 =	por !p2, p0  }
0x20: {  	[sflag:s8] =	ssyncset.s32 @!p0 $0xFFFFF086;
	s6 =	sadd.s32 @!p0 s3, s7;
	s7 =	simm.s32 @!p0 $0x108  }
0x21: {  	s3 =	sadd.s32 s3, s9;
	s6 =	sadd.s32 @!p0 $0x88, s6;
	s7 =	simm.s32 @p2 $0x1082  }
0x22: {  	[simem:s7], [sflag:s8] =	dma.local @!p0 [hbm:s6], $0xF7A  }
0x23: {  	s9 =	sor.u32 $0xD0000000, s2;
	s6 =	simm.s32 $0x108;
	_ =	swait.ge @!p0 [sflag:s8], $0x0  }
0x24: {  	s3 =	sadd.s32 $0x88, s3;
	s6 =	simm.s32 @!p1 $0x1082;
	[sflag:s4] =	ssyncset.s32 $0xFFFFF086  }
0x25: {  	[simem:s6], [sflag:s4] =	dma.local [hbm:s3], $0xF7A  }
0x26: {  	[smem:$0x3F9E] =	sst s1;
	(tag) =	ssettag s2;
	_ =	strace s9  }
0x27: {  	s1 =	sld [smem:$0x3FAE]  }
0x28: {  	s2 =	sld [smem:$0x3FAF]  }
0x29: {  	s4 =	sld [smem:$0x3FB1]  }
0x2a: {  	p0 =	seq.s32 s5, $0x0;
	s5 =	sld [smem:$0x3FB2]  }
0x2b: {  	s6 =	sld [smem:$0x3FB3]  }
0x2c: {  	s7 =	sld [smem:$0x3FB4]  }
0x2d: {  	s3 =	simm.s32 $0x108;
	s8 =	sld [smem:$0x3FB5]  }
0x2e: {  	s3 =	simm.s32 @!p0 $0x1082;
	s9 =	sld [smem:$0x3FB6]  }
0x2f: {  	lr =	sadd.s32 s0, s3;
	s0 =	sld [smem:$0x3FAD]  }
0x30: {  	s3 =	sld [smem:$0x3FB0]  }
0x31: {  	[smem:$0x3FB9] =	sst s10  }
0x32: {  	s10 =	sld [smem:$0x3FB7];
	_ =	sdelay $0x3  }
0x33: {  	p0 =	seq.s32 s10, $0x1;
	s10 =	sld [smem:$0x3FB9];
	_ =	sdelay $0x3  }
0x34: {  	[smem:$0x3FB9] =	sst s10  }
0x35: {  	s10 =	sld [smem:$0x3FB8];
	_ =	sdelay $0x3  }
0x36: {  	p1 =	seq.s32 s10, $0x1;
	s10 =	sld [smem:$0x3FB9];
	_ =	sdelay $0x3  }
0x37: {  	[smem:$0x3FB9] =	sst s10  }
0x38: {  	s10 =	sld [smem:$0x3FBA]  }
0x39: {  	_ = 	snop;
	(pc) =	sbr.ind lr, $3  }
0x3a: {  	_ = 	snop  }
0x3b: {  	_ = 	snop  }
0x3c: {  	p2 =	seq.s32 s10, $0x1;
	s10 =	sld [smem:$0x3FB9]  }
0x3d: {  	_ =	shalt  }
0x3e: {  	_ =	shalt  }
0x3f: {  	_ =	shalt  }
0x40: {  	_ =	shalt  }
0x41: {  	_ =	shalt  }
0x42: {  	_ =	shalt  }
0x43: {  	_ =	shalt  }
0x44: {  	_ =	shalt  }
0x45: {  	_ =	shalt  }
0x46: {  	_ =	shalt  }
0x47: {  	_ =	shalt  }
0x48: {  	_ =	shalt  }
0x49: {  	_ =	shalt  }
0x4a: {  	_ =	shalt  }
0x4b: {  	_ =	shalt  }
0x4c: {  	_ =	shalt  }
0x4d: {  	_ =	shalt  }
0x4e: {  	_ =	shalt  }
0x4f: {  	_ =	shalt  }
0x50: {  	_ =	shalt  }
0x51: {  	_ =	shalt  }
0x52: {  	_ =	shalt  }
0x53: {  	_ =	shalt  }
0x54: {  	_ =	shalt  }
0x55: {  	_ =	shalt  }
0x56: {  	_ =	shalt  }
0x57: {  	_ =	shalt  }
0x58: {  	_ =	shalt  }
0x59: {  	_ =	shalt  }
0x5a: {  	_ =	shalt  }
0x5b: {  	_ =	shalt  }
0x5c: {  	_ =	shalt  }
0x5d: {  	_ =	shalt  }
0x5e: {  	_ =	shalt  }
0x5f: {  	_ =	shalt  }
0x60: {  	_ =	shalt  }
0x61: {  	_ =	shalt  }
0x62: {  	_ =	shalt  }
0x63: {  	_ =	shalt  }
0x64: {  	_ =	shalt  }
0x65: {  	_ =	shalt  }
0x66: {  	_ =	shalt  }
0x67: {  	_ =	shalt  }
0x68: {  	_ =	shalt  }
0x69: {  	_ =	shalt  }
0x6a: {  	_ =	shalt  }
0x6b: {  	_ =	shalt  }
0x6c: {  	_ =	shalt  }
0x6d: {  	_ =	shalt  }
0x6e: {  	_ =	shalt  }
0x6f: {  	_ =	shalt  }
0x70: {  	_ =	shalt  }
0x71: {  	_ =	shalt  }
0x72: {  	_ =	shalt  }
0x73: {  	_ =	shalt  }
0x74: {  	_ =	shalt  }
0x75: {  	_ =	shalt  }
0x76: {  	_ =	shalt  }
0x77: {  	_ =	shalt  }
0x78: {  	_ =	shalt  }
0x79: {  	_ =	shalt  }
0x7a: {  	_ =	shalt  }
0x7b: {  	_ =	shalt  }
0x7c: {  	_ =	shalt  }
0x7d: {  	_ =	shalt  }
0x7e: {  	_ =	shalt  }
0x7f: {  	_ =	shalt  }
0x80: {  	_ =	shalt  }
0x81: {  	_ =	shalt  }
0x82: {  	_ =	shalt  }
0x83: {  	_ =	shalt  }
0x84: {  	_ =	shalt  }
0x85: {  	_ =	shalt  }
0x86: {  	_ =	shalt  }
0x87: {  	_ =	shalt  }
.Lfunc_end0:
.L_simem_size_0:
called_computation_lowered:
.L_overlay_start_0:
0x88: {  	s2 =	sld [smem:$0x3FD9]  }
0x89: {  	s3 =	sld [smem:$0x3FFE];
	_ =	sdelay $0x1  }
0x8a: {  	s1 =	srdreg.scid  }
0x8b: {  	s0 =	sand.u32 $0x1, s1  }
0x8c: {  	s17 =	sshll.u32 s0, $0xA;
	s2 =	sadd.s32 s3, s2  }
0x8d: {  	s2 =	sadd.s32 s2, s17  }
0x8e: {  	[smem:$0x3FC5] =	sst s2  }
0x8f: {  	_ = 	snop  }
0x90: {  	s2 =	sld [smem:$0x3FC9]  }
0x91: {  	s18 =	sld [smem:$0x3FC8]  }
0x92: {  	s4 =	sld [smem:$0x3FC7];
	(tm) =	ssettm $0x1  }
0x93: {  	s5 =	sld [smem:$0x3FFB];
	_ =	sdelay $0x3  }
0x94: {  	_ =	strace s5  }
0x95: {  	s5 =	sld [smem:$0x3FFC];
	_ =	sdelay $0x3  }
0x96: {  	_ =	strace s5  }
0x97: {  	s5 =	sld [smem:$0x3FFD];
	_ =	sdelay $0x3  }
0x98: {  	_ =	strace s5  }
0x99: {  	_ =	strace $0x8FFFFFFF  }
0x9a: {  	s19 =	sld [smem:$0x3FDB];
	_ =	sdelay $0x1  }
0x9b: {  	s6 =	simm.s32 $_scs_section_size  }
0x9c: {  	s7 =	simm.s32 $_size__tile_overlayer_lowered;
	s8 =	simm.s32 $_tile_overlayer_lowered  }
0x9d: {  	s22 =	simm.s32 $0x1BFF;
	s21 =	sshll.u32 s8, $0x1;
	s5 =	sadd.s32 s6, s19  }
0x9e: {  	s9 =	simm.s32 $0x0;
	s20 =	sshll.u32 s7, $0x1;
	s7 =	sadd.s32 s21, s5  }
0x9f: {  	[timem:s9], [sflag:s22] =	dma.local [hbm:s7], s20  }
0xa0: {  	_ =	swait.ge [sflag:s22], s20  }
0xa1: {  	s6 =	ssub.s32 $0x0, s20;
	[sflag:s22] =	ssyncset.done $0x0  }
0xa2: {  	[sflag:s22] =	ssyncadd.s32 s6;
	_ =	sdelay $0x1  }
0xa3: {  	s23 =	simm.s32 $0x1B8B  }
0xa4: {  	_ =	swait.ge [sflag:s23], $0x1  }
0xa5: {  	[sflag:s23] =	ssyncset.done $0x0  }
0xa6: {  	s25 =	simm.s32 $0x1B8E;
	s24 =	sld [smem:$0x3FFE];
	[sflag:s23] =	ssyncadd.s32 $0xFFFFFFFF  }
0xa7: {  	s26 =	simm.s32 $execute0_lowered;
	[smem:$0x3FD2] =	sst s25  }
0xa8: {  	s7 =	sshll.u32 s26, $0x1;
	_ =	strace $0x80000046;
	[dreg:$0x1] =	wrdreg $0xFFFFFFFF  }
0xa9: {  	s28 =	simm.s32 $_size_execute0_lowered;
	s5 =	sadd.s32 s5, s7;
	[dreg:$0x0] =	wrdreg $0x0  }
0xaa: {  	s7 =	sshll.u32 s28, $0x1;
	[dreg:$0x2] =	wrdreg s5  }
0xab: {  	[dreg:$0x3] =	wrdreg s7  }
0xac: {  	[dreg:$0x4] =	wrdreg $0xC0  }
0xad: {  	_ =	task [dreg:s9], $0x5FFFF  }
0xae: {  	[dreg:$0x1] =	wrdreg $0xFFFFFFFF  }
0xaf: {  	[dreg:$0x0] =	wrdreg $0x60  }
0xb0: {  	[dreg:$0x2] =	wrdreg s2  }
0xb1: {  	[dreg:$0x3] =	wrdreg s18  }
0xb2: {  	[dreg:$0x4] =	wrdreg s4  }
0xb3: {  	[dreg:$0x5] =	wrdreg s24  }
0xb4: {  	[dreg:$0x6] =	wrdreg $0x9  }
0xb5: {  	_ =	task.clear_ibuf [dreg:s9], $0x7FFFF;
	_ =	strace $0x90000046  }
0xb6: {  	s29 =	simm.s32 $0x9;
	_ =	strace $0x80000048  }
0xb7: {  	_ =	swait.ge [sflag:s29], $0x1  }
0xb8: {  	[sflag:s29] =	ssyncadd.s32 $0xFFFFFFFF  }
0xb9: {  	_ =	strace $0x90000048  }
0xba: {  	_ =	sfence  }
0xbb: {  	s30 =	sld [smem:$0x0];
	_ =	sdelay $0x2  }
0xbc: {  	s31 =	sshll.u32 s1, $0xD;
	s1 =	sshrl.u32 s1, $0x2  }
0xbd: {  	s3 =	sand.u32 $0x4000, s31;
	s1 =	sadd.s32 s1, s30  }
0xbe: {  	s0 =	sor.u32 s3, s0;
	s1 =	sshll.u32 s1, $0x11  }
0xbf: {  	s0 =	sor.u32 s1, s0  }
0xc0: {  	s0 =	sadd.s32 $0x8F2B, s0  }
0xc1: {  	[sflag:s0] =	ssyncadd.remote.s32 $0x1  }
0xc2: {  	_ =	sfence.sel $0xFFFF  }
0xc3: {  	[dreg:$0x0] =	wrdreg $0xFFFFFFFF;
	(pc) =	sbr.abs _section_cstart, $3  }
0xc4: {  	[dreg:$0x1] =	wrdreg $0xFFFFFFFF  }
0xc5: {  	_ =	task.clear_ibuf [dreg:s9], $0x2FFFF;
	_ =	strace $0x9FFFFFFF  }
0xc6: {  	(tm) =	ssettm $0x7FFFFFFF  }
0xc7: {  	_ =	shalt  }
tec
execute0_lowered:
.L_overlay_start_1:
0x0: {  	(tag) =	ssettag $0x1  }
0x1: {  	s7 =	rddreg [dreg:$0x0]  }
0x2: {  	s8 =	rddreg [dreg:$0x1]  }
0x3: {  	s0 =	srdreg.scid;
	s2 =	rddreg [dreg:$0x2]  }
0x4: {  	s9 =	simm.s32 $0x1;
	s10 =	rddreg [dreg:$0x3];
	s5 =	sand.u32 $0x1, s0  }
0x5: {  	s3 =	simm.s32 $0x0;
	s0 =	stileid.u32;
	s1 =	sshll.u32 s5, $0x4  }
0x6: {  	s12 =	simm.s32 $0x80;
	s4 =	sand.u32 $0x7, s0;
	s6 =	sor.u32 s0, s1  }
0x7: {  	s13 =	simm.s32 $0x2080;
	p1 =	sne.s32 s4, $0x0;
	p0 =	seq.s32 s6, $0x0  }
0x8: {  	s14 =	simm.s32 $0x3;
	s15 =	simm.s32 $0x2;
	p0 =	por !p1, !p0  }
0x9: {  	s16 =	simm.s32 $0x8080;
	s17 =	simm.s32 $0x0;
	p0 =	por !p0, !p0  }
0xa: {  	[smem:$0x7FF] =	sst s3;
	s11 =	sshrl.u32 s6, $0x3;
	s9 =	simm.s32 @!p0 $0x0  }
0xb: {  	s5 =	ssub.s32 $0x2, s5;
	s1 =	rddreg [dreg:$0x4];
	s9 =	ssub.s32 s11, s9  }
0xc: {  	s4 =	sshll.u32 s4, $0x4;
	_ =	strace $0x80000047;
	s9 =	sshll.u32 s9, $0x7  }
0xd: {  	s31 =	sshll.u32 s6, $0xB;
	s6 =	sshll.u32 s6, $0x4;
	s9 =	sor.u32 s4, s9  }
0xe: {  	s30 =	sshrl.u32 s5, $0x1;
	s6 =	sadd.s32 s8, s6;
	s9 =	sshrl.u32 s9, $0x3  }
0xf: {  	s11 =	simm.s32 $0x40;
	s4 =	simm.s32 $0x1;
	s9 =	sadd.s32 s9, s10  }
0x10: {  	s10 =	ssub.s32 s5, s30;
	s5 =	sadd.s32 s7, s31;
	s7 =	sadd.s32 $0x600, s9  }
0x11: {  	s8 =	smax.u32 s10, $0x1;
	s9 =	simm.s32 $0x4080;
	s10 =	simm.s32 $0x4  }
.LBB2_1:
0x12: {  	[tilespmem:s9], [sflag:$0x3] =	stream.linear.gather [hbm4b:s5+s3], $0x4000, $0x38;
	[tilespmem:$0x8100] =	vst v63  }
0x13: {  	_ = 	snop  }
0x14: {  	[tilespmem:s3], [sflag:$0x4] =	stream.linear.gather [hbm4b:s6+s3], $0x80, $0x38;
	[tilespmem:$0x8100] =	vst v63  }
0x15: {  	_ =	swait.ge [sflag:s10], $0x80  }
0x16: {  	[sflag:s10] =	ssyncset.done $0x0  }
0x17: {  	[sflag:s10] =	ssyncadd.s32 $0xFFFFFF80  }
0x18: {  	[tilespmem:s12], [sflag:$0x1] =	stream.indirect.gather [hbm4b:s2+s11], $0x80, s3, s11, $0xb8;
	[tilespmem:$0x8100] =	vst v63  }
0x19: {  	_ = 	snop  }
0x1a: {  	[tilespmem:s13], [sflag:$0x2] =	stream.indirect.gather [hbm4b:s2+s11], $0x80, s11, s11, $0xb8;
	[tilespmem:$0x8100] =	vst v63  }
0x1b: {  	_ =	swait.ge [sflag:s14], $0x4000  }
0x1c: {  	[sflag:s14] =	ssyncset.done $0x0  }
0x1d: {  	[sflag:s14] =	ssyncadd.s32 $0xFFFFC000  }
0x1e: {  	_ =	swait.ge [sflag:s4], $0x2000  }
0x1f: {  	[sflag:s4] =	ssyncset.done $0x0  }
0x20: {  	s19 =	simm.s32 $0x0;
	[sflag:s4] =	ssyncadd.s32 $0xFFFFE000  }
0x21: {  	v0 =	vld [tilespmem:s19+$0x4080]  }
0x22: {  	v1 =	vld [tilespmem:s19+$0x80]  }
0x23: {  	v2 =	vld [tilespmem:s19+$0x4090]  }
0x24: {  	v3 =	vld [tilespmem:s19+$0x90]  }
0x25: {  	v4 =	vld [tilespmem:s19+$0x40A0]  }
0x26: {  	v5 =	vld [tilespmem:s19+$0xA0]  }
0x27: {  	v6 =	vld [tilespmem:s19+$0xB0];
	v0 =	vsub.f32 v0, v1  }
0x28: {  	v1 =	vld [tilespmem:s19+$0x40B0]  }
0x29: {  	v7 =	vld [tilespmem:s19+$0x40C0];
	v2 =	vsub.f32 v2, v3;
	v0 =	vmul.f32 v0, v0  }
0x2a: {  	v8 =	vld [tilespmem:s19+$0xC0];
	v3 =	vimm.f32 $0.0e+00  }
0x2b: {  	v9 =	vld [tilespmem:s19+$0x40D0];
	v2 =	vmul.f32 v2, v2;
	v0 =	vadd.f32 v0, v3;
	v3 =	vsub.f32 v4, v5  }
0x2c: {  	v10 =	vld [tilespmem:s19+$0xD0]  }
0x2d: {  	v1 =	vsub.f32 v1, v6;
	v2 =	vadd.f32 v2, v0;
	v4 =	vmul.f32 v3, v3;
	v0 =	vld [tilespmem:s19+$0x40E0]  }
0x2e: {  	v3 =	vld [tilespmem:s19+$0xE0]  }
0x2f: {  	v7 =	vsub.f32 v7, v8;
	v6 =	vmul.f32 v1, v1;
	v1 =	vld [tilespmem:s19+$0x40F0];
	v5 =	vadd.f32 v4, v2  }
0x30: {  	s18 =	simm.s32 $0x80;
	v4 =	vld [tilespmem:s19+$0xF0]  }
0x31: {  	v2 =	vld [tilespmem:s18+$0x4080];
	s19 =	simm.s32 $0x400;
	v5 =	vadd.f32 v6, v5;
	v6 =	vmul.f32 v7, v7;
	v7 =	vsub.f32 v9, v10  }
.LBB2_2:
0x32: {  	p0 =	sne.s32 s19, $0x7E00;
	v8 =	vld [tilespmem:s18+$0x80]  }
0x33: {  	v9 =	vld [tilespmem:s18+$0x4090];
	v5 =	vadd.f32 v6, v5;
	v6 =	vmul.f32 v7, v7;
	v0 =	vsub.f32 v0, v3  }
0x34: {  	v3 =	vld [tilespmem:s18+$0x90]  }
0x35: {  	v7 =	vld [tilespmem:s18+$0x40A0];
	v5 =	vadd.f32 v6, v5;
	v0 =	vmul.f32 v0, v0;
	v1 =	vsub.f32 v1, v4  }
0x36: {  	v4 =	vld [tilespmem:s18+$0xA0]  }
0x37: {  	v2 =	vsub.f32 v2, v8;
	v6 =	vld [tilespmem:s18+$0x40B0];
	v0 =	vadd.f32 v0, v5;
	v1 =	vmul.f32 v1, v1  }
0x38: {  	v5 =	vld [tilespmem:s18+$0xB0]  }
0x39: {  	v2 =	vmul.f32 v2, v2;
	v3 =	vsub.f32 v9, v3;
	v8 =	vld [tilespmem:s18+$0x40C0];
	v0 =	vadd.f32 v1, v0  }
0x3a: {  	v1 =	vld [tilespmem:s18+$0xC0]  }
0x3b: {  	v0 =	vadd.f32 v2, v0;
	v2 =	vmul.f32 v3, v3;
	v3 =	vsub.f32 v7, v4;
	v7 =	vld [tilespmem:s18+$0x40D0]  }
0x3c: {  	v9 =	vld [tilespmem:s18+$0xD0]  }
.Ltmp0:
0x3d: {  	v2 =	vadd.f32 v2, v0;
	v4 =	vmul.f32 v3, v3;
	v5 =	vsub.f32 v6, v5;
	v0 =	vld [tilespmem:s18+$0x40E0];
	(pc) =	sbr.rel @p0 .LBB2_2-.Ltmp0, $4  }
0x3e: {  	v3 =	vld [tilespmem:s18+$0xE0]  }
0x3f: {  	v6 =	vadd.f32 v4, v2;
	v5 =	vmul.f32 v5, v5;
	v8 =	vsub.f32 v8, v1;
	v1 =	vld [tilespmem:s18+$0x40F0]  }
0x40: {  	v4 =	vld [tilespmem:s18+$0xF0];
	s18 =	sshra.s32 s19, $0x2  }
0x41: {  	s19 =	sadd.s32 $0x200, s19;
	v2 =	vld [tilespmem:s18+$0x4080];
	v5 =	vadd.f32 v5, v6;
	v6 =	vmul.f32 v8, v8;
	v7 =	vsub.f32 v7, v9  }
0x42: {  	v8 =	vld [tilespmem:s18+$0x80]  }
0x43: {  	v9 =	vld [tilespmem:s18+$0x4090]  }
0x44: {  	v10 =	vld [tilespmem:s18+$0x90]  }
0x45: {  	v11 =	vld [tilespmem:s18+$0x40A0];
	v5 =	vadd.f32 v6, v5;
	v6 =	vmul.f32 v7, v7;
	v0 =	vsub.f32 v0, v3  }
0x46: {  	v59 =	vld [tilespmem:s18+$0x40E0]  }
0x47: {  	v60 =	vld [tilespmem:s18+$0xE0];
	v5 =	vadd.f32 v6, v5;
	v0 =	vmul.f32 v0, v0;
	v1 =	vsub.f32 v1, v4  }
0x48: {  	v3 =	vld [tilespmem:s18+$0xA0]  }
0x49: {  	v7 =	vld [tilespmem:s18+$0x40B0];
	v2 =	vsub.f32 v2, v8;
	v0 =	vadd.f32 v0, v5;
	v1 =	vmul.f32 v1, v1  }
0x4a: {  	v4 =	vld [tilespmem:s18+$0xB0]  }
0x4b: {  	v6 =	vld [tilespmem:s18+$0x40C0];
	v9 =	vsub.f32 v9, v10;
	v2 =	vmul.f32 v2, v2;
	v0 =	vadd.f32 v1, v0  }
0x4c: {  	v5 =	vld [tilespmem:s18+$0xC0]  }
0x4d: {  	v8 =	vld [tilespmem:s18+$0x40D0];
	v3 =	vsub.f32 v11, v3;
	v0 =	vadd.f32 v2, v0;
	v2 =	vmul.f32 v9, v9  }
0x4e: {  	v1 =	vld [tilespmem:s18+$0xD0]  }
0x4f: {  	v61 =	vld [tilespmem:s18+$0x40F0];
	v0 =	vadd.f32 v2, v0;
	v2 =	vmul.f32 v3, v3;
	v3 =	vsub.f32 v7, v4  }
0x50: {  	v4 =	vld [tilespmem:s18+$0xF0];
	_ =	swait.ge [sflag:s15], $0x2000  }
0x51: {  	[sflag:s15] =	ssyncset.done $0x0;
	v0 =	vadd.f32 v2, v0;
	v2 =	vmul.f32 v3, v3;
	v3 =	vsub.f32 v6, v5  }
0x52: {  	s19 =	simm.s32 $0x0;
	[sflag:s15] =	ssyncadd.s32 $0xFFFFE000  }
0x53: {  	v1 =	vsub.f32 v8, v1;
	v5 =	vld [tilespmem:s19+$0x2080];
	v0 =	vadd.f32 v2, v0;
	v2 =	vmul.f32 v3, v3  }
0x54: {  	v3 =	vld [tilespmem:s19+$0x6080]  }
0x55: {  	v1 =	vmul.f32 v1, v1;
	v6 =	vld [tilespmem:s19+$0x6090];
	v0 =	vadd.f32 v2, v0;
	v2 =	vsub.f32 v59, v60  }
0x56: {  	v7 =	vld [tilespmem:s19+$0x2090]  }
0x57: {  	v8 =	vld [tilespmem:s19+$0x20A0];
	v0 =	vadd.f32 v1, v0;
	v1 =	vmul.f32 v2, v2;
	v2 =	vsub.f32 v61, v4  }
0x58: {  	v4 =	vld [tilespmem:s19+$0x60A0]  }
0x59: {  	v0 =	vadd.f32 v1, v0;
	v1 =	vmul.f32 v2, v2;
	v2 =	vsub.f32 v3, v5;
	v3 =	vld [tilespmem:s19+$0x60B0]  }
0x5a: {  	v5 =	vld [tilespmem:s19+$0x20B0]  }
0x5b: {  	v0 =	vadd.f32 v1, v0;
	v1 =	vmul.f32 v2, v2;
	v2 =	vsub.f32 v6, v7;
	v6 =	vld [tilespmem:s19+$0x60C0]  }
0x5c: {  	v7 =	vld [tilespmem:s19+$0x20C0]  }
0x5d: {  	v62 =	vld [tilespmem:s19+$0x20D0];
	v0 =	vadd.f32 v1, v0;
	v1 =	vmul.f32 v2, v2;
	v2 =	vsub.f32 v4, v8  }
0x5e: {  	v8 =	vld [tilespmem:s19+$0x60D0]  }
0x5f: {  	v4 =	vsub.f32 v3, v5;
	v3 =	vld [tilespmem:s19+$0x20E0];
	v1 =	vadd.f32 v1, v0;
	v2 =	vmul.f32 v2, v2  }
0x60: {  	v0 =	vld [tilespmem:s19+$0x60E0]  }
0x61: {  	v63 =	vmul.f32 v4, v4;
	v6 =	vsub.f32 v6, v7;
	v4 =	vld [tilespmem:s19+$0x20F0];
	v5 =	vadd.f32 v2, v1  }
0x62: {  	s18 =	simm.s32 $0x80;
	v1 =	vld [tilespmem:s19+$0x60F0]  }
0x63: {  	v2 =	vld [tilespmem:s18+$0x6080];
	s19 =	simm.s32 $0x400;
	v6 =	vmul.f32 v6, v6;
	v7 =	vsub.f32 v8, v62;
	v5 =	vadd.f32 v63, v5  }
.LBB2_4:
0x64: {  	p0 =	sne.s32 s19, $0x7E00;
	v8 =	vld [tilespmem:s18+$0x2080]  }
0x65: {  	v9 =	vld [tilespmem:s18+$0x6090];
	v5 =	vadd.f32 v6, v5;
	v6 =	vmul.f32 v7, v7;
	v0 =	vsub.f32 v0, v3  }
0x66: {  	v3 =	vld [tilespmem:s18+$0x2090]  }
0x67: {  	v7 =	vld [tilespmem:s18+$0x60A0];
	v5 =	vadd.f32 v6, v5;
	v0 =	vmul.f32 v0, v0;
	v1 =	vsub.f32 v1, v4  }
0x68: {  	v4 =	vld [tilespmem:s18+$0x20A0]  }
0x69: {  	v2 =	vsub.f32 v2, v8;
	v6 =	vld [tilespmem:s18+$0x60B0];
	v0 =	vadd.f32 v0, v5;
	v1 =	vmul.f32 v1, v1  }
0x6a: {  	v5 =	vld [tilespmem:s18+$0x20B0]  }
0x6b: {  	v2 =	vmul.f32 v2, v2;
	v3 =	vsub.f32 v9, v3;
	v8 =	vld [tilespmem:s18+$0x60C0];
	v0 =	vadd.f32 v1, v0  }
0x6c: {  	v1 =	vld [tilespmem:s18+$0x20C0]  }
0x6d: {  	v0 =	vadd.f32 v2, v0;
	v2 =	vmul.f32 v3, v3;
	v3 =	vsub.f32 v7, v4;
	v7 =	vld [tilespmem:s18+$0x60D0]  }
0x6e: {  	v9 =	vld [tilespmem:s18+$0x20D0]  }
.Ltmp1:
0x6f: {  	v2 =	vadd.f32 v2, v0;
	v4 =	vmul.f32 v3, v3;
	v5 =	vsub.f32 v6, v5;
	v0 =	vld [tilespmem:s18+$0x60E0];
	(pc) =	sbr.rel @p0 .LBB2_4-.Ltmp1, $4  }
0x70: {  	v3 =	vld [tilespmem:s18+$0x20E0]  }
0x71: {  	v6 =	vadd.f32 v4, v2;
	v5 =	vmul.f32 v5, v5;
	v8 =	vsub.f32 v8, v1;
	v1 =	vld [tilespmem:s18+$0x60F0]  }
0x72: {  	v4 =	vld [tilespmem:s18+$0x20F0];
	s18 =	sshra.s32 s19, $0x2  }
0x73: {  	s19 =	sadd.s32 $0x200, s19;
	v2 =	vld [tilespmem:s18+$0x6080];
	v5 =	vadd.f32 v5, v6;
	v6 =	vmul.f32 v8, v8;
	v7 =	vsub.f32 v7, v9  }
0x74: {  	v8 =	vld [tilespmem:s18+$0x2080]  }
0x75: {  	v9 =	vld [tilespmem:s18+$0x6090];
	v5 =	vadd.f32 v6, v5;
	v39 =	vmul.f32 v7, v7;
	v0 =	vsub.f32 v0, v3  }
0x76: {  	v40 =	vld [tilespmem:s18+$0x2090]  }
0x77: {  	v41 =	vld [tilespmem:s18+$0x60A0];
	v5 =	vadd.f32 v39, v5;
	v0 =	vmul.f32 v0, v0;
	v1 =	vsub.f32 v1, v4  }
0x78: {  	v42 =	vld [tilespmem:s18+$0x20A0]  }
0x79: {  	v43 =	vld [tilespmem:s18+$0x60B0];
	v2 =	vsub.f32 v2, v8;
	v0 =	vadd.f32 v0, v5;
	v1 =	vmul.f32 v1, v1  }
0x7a: {  	v44 =	vld [tilespmem:s18+$0x20B0]  }
0x7b: {  	v45 =	vld [tilespmem:s18+$0x60C0];
	v3 =	vsub.f32 v9, v40;
	v2 =	vmul.f32 v2, v2;
	v0 =	vadd.f32 v1, v0  }
0x7c: {  	v46 =	vld [tilespmem:s18+$0x20C0]  }
0x7d: {  	v49 =	vld [tilespmem:s18+$0x60D0];
	v48 =	vsub.f32 v41, v42;
	v47 =	vmul.f32 v3, v3;
	v0 =	vadd.f32 v2, v0  }
0x7e: {  	v50 =	vld [tilespmem:s18+$0x20D0]  }
0x7f: {  	v53 =	vld [tilespmem:s18+$0x60E0];
	v52 =	vsub.f32 v43, v44;
	v51 =	vmul.f32 v48, v48;
	v0 =	vadd.f32 v47, v0  }
0x80: {  	v54 =	vld [tilespmem:s18+$0x20E0]  }
0x81: {  	v56 =	vld [tilespmem:s18+$0x60F0];
	v55 =	vmul.f32 v52, v52;
	v1 =	vsub.f32 v45, v46;
	v0 =	vadd.f32 v51, v0  }
0x82: {  	v57 =	vld [tilespmem:s18+$0x20F0]  }
0x83: {  	v58 =	vsub.f32 v49, v50;
	v1 =	vmul.f32 v1, v1;
	v0 =	vadd.f32 v55, v0;
	_ =	sdelay $0x1  }
0x84: {  	v60 =	vsub.f32 v53, v54;
	v59 =	vmul.f32 v58, v58;
	v0 =	vadd.f32 v1, v0;
	_ =	sdelay $0x1  }
0x85: {  	v62 =	vsub.f32 v56, v57;
	v61 =	vmul.f32 v60, v60;
	v0 =	vadd.f32 v59, v0;
	_ =	sdelay $0x1  }
0x86: {  	v63 =	vmul.f32 v62, v62;
	v0 =	vadd.f32 v61, v0;
	_ =	sdelay $0x1  }
0x87: {  	s17 =	sadd.s32 $0x1, s17;
	v0 =	vadd.f32 v63, v0  }
0x88: {  	p0 =	sne.s32 s17, s8  }
.Ltmp2:
0x89: {  	[tilespmem:$0x8080] =	vst v0;
	(pc) =	sbr.rel @p0 .LBB2_1-.Ltmp2, $4  }
0x8a: {  	[hbm4b:s7+s3] =	stream.linear.scatter [tilespmem:s16], [sflag:$0x4], $0x10, $0x38;
	[tilespmem:$0x8100] =	vst v63  }
0x8b: {  	_ =	swait.ge [sflag:s10], $0x10  }
0x8c: {  	[sflag:s10] =	ssyncset.done $0x0  }
0x8d: {  	[sflag:s10] =	ssyncadd.s32 $0xFFFFFFF0  }
0x8e: {  	_ =	sfence.sel $0x180000  }
0x8f: {  	[bflag:$0x0] =	sbarrier.arrive $0xFFFF  }
0x90: {  	p0 =	sne.s32 s0, $0x0;
	_ =	strace $0x90000047  }
0x91: {  	s0 =	sadd.s32 @!p0 $0x100000, s1;
	[bflag:$0x2] =	sbarrier.arrive $0xFFFF  }
0x92: {  	[sflag:s0] =	ssyncadd.tile.s32 @!p0 $0x1;
	_ =	shalt  }
.Lfunc_end2:
_tile_overlayer_lowered:
.L_overlay_start_2:
0x93: {  	(tag) =	ssettag $0x2  }
0x94: {  	s0 =	rddreg [dreg:$0x0];
	s2 =	stileid.u32  }
0x95: {  	s1 =	rddreg [dreg:$0x1];
	p0 =	sne.s32 s2, $0x0  }
0x96: {  	s3 =	rddreg [dreg:$0x2];
	[bflag:$0x3] =	sbarrier.arrive $0xFFFF;
	s2 =	simm.s32 @!p0 $0x1C04  }
0x97: {  	[timem:s3], [sflag:s2] =	dma.local @!p0 [hbm:s0], s1  }
0x98: {  	s0 =	simm.s32 @!p0 $0x4  }
0x99: {  	_ =	swait.ge @!p0 [sflag:s0], s1  }
0x9a: {  	s1 =	ssub.s32 @!p0 $0x0, s1;
	[sflag:s0] =	ssyncset.done @!p0 $0x0  }
0x9b: {  	[sflag:s0] =	ssyncadd.s32 @!p0 s1  }
0x9c: {  	[bflag:$0x3] =	sbarrier.arrive $0xFFFF  }
0x9d: {  	_ =	shalt  }

</sc_bundles>
